<compile_context>
chip_gen: v7x
topology: tpu7x:2x2x1
jax: 0.10.2.dev20260603
libtpu: 0.0.44.dev20260713+nightly
codegen_flags: <defaults>
</compile_context>

<pallas_src>
import functools

import jax
import jax.numpy as jnp
from jax import lax
from jax.experimental import pallas as pl
from jax.experimental.pallas import tpu as pltpu
from jax.experimental.pallas import tpu_sc as plsc

_VOCAB = 1000000
_D = 64
_BATCH = 16384
_HIST = 50
_TOTAL = _BATCH * _HIST
_NC = 2
_NS = 16
_NW = _NC * _NS
_PER_W = _TOTAL // _NW
_CH = 512
_NCHUNK = _PER_W // _CH

_mesh = plsc.VectorSubcoreMesh(core_axis_name="c", subcore_axis_name="s")


@functools.partial(
    pl.kernel,
    mesh=_mesh,
    out_type=jax.ShapeDtypeStruct((_TOTAL, _D), jnp.float32),
    scratch_types=[
        pltpu.VMEM((_PER_W,), jnp.int32),
        pltpu.VMEM((_CH, _D), jnp.float32),
        pltpu.VMEM((_CH, _D), jnp.float32),
        pltpu.SemaphoreType.DMA,
        pltpu.SemaphoreType.DMA,
    ],
    compiler_params=pltpu.CompilerParams(use_tc_tiling_on_sc=False),
)
def _gather_kernel(idx2_hbm, table2m_hbm, out_hbm, idx_v, buf0, buf1, g0, g1):
    wid = lax.axis_index("s") * _NC + lax.axis_index("c")
    base = wid * _PER_W
    pltpu.sync_copy(idx2_hbm.at[pl.ds(base, _PER_W)], idx_v)

    def gather_start(c, buf, sem):
        pltpu.async_copy(table2m_hbm.at[idx_v.at[pl.ds(c * _CH, _CH)]], buf, sem)

    def gather_wait(c, buf, sem):
        pltpu.make_async_copy(
            table2m_hbm.at[idx_v.at[pl.ds(c * _CH, _CH)]], buf, sem
        ).wait()

    gather_start(0, buf0, g0)
    gather_start(1, buf1, g1)

    def handle(c, buf, sem):
        gather_wait(c, buf, sem)
        pltpu.sync_copy(buf, out_hbm.at[pl.ds(base + c * _CH, _CH)])

        @pl.when(c + 2 < _NCHUNK)
        def _():
            gather_start(c + 2, buf, sem)

    def body(p, carry):
        handle(2 * p, buf0, g0)
        handle(2 * p + 1, buf1, g1)
        return carry

    lax.fori_loop(0, _NCHUNK // 2, body, 0)


_HH = _HIST // 2
_TD = _HIST * _D
_BK = 2048


def _pad_transpose_kernel(in_ref, out_ref):
    x = in_ref[...]
    out_ref[...] = jnp.concatenate([x, x], axis=0).T


def _to_batch_minor_kernel(in_ref, out_ref):
    x = in_ref[...].reshape(128, _HH, 128)
    for s in range(_HH):
        out_ref[pl.ds(s * 128, 128), :] = x[:, s, :].T


def kernel(input, table):
    idx2 = input.reshape(_TOTAL) * 2
    t128 = pl.pallas_call(
        _pad_transpose_kernel,
        grid=(pl.cdiv(_VOCAB, _BK),),
        in_specs=[pl.BlockSpec((_D, _BK), lambda i: (0, i))],
        out_specs=pl.BlockSpec((_BK, 2 * _D), lambda i: (i, 0)),
        out_shape=jax.ShapeDtypeStruct((_VOCAB, 2 * _D), jnp.float32),
    )(table.T)
    table2m = t128.reshape(2 * _VOCAB, _D)
    out = _gather_kernel(idx2, table2m)
    g128 = out.reshape(_TOTAL // 2, 2 * _D)
    o2 = pl.pallas_call(
        _to_batch_minor_kernel,
        grid=(_BATCH // 128,),
        in_specs=[pl.BlockSpec((_HH * 128, 128), lambda i: (i, 0))],
        out_specs=pl.BlockSpec((_TD, 128), lambda i: (0, i)),
        out_shape=jax.ShapeDtypeStruct((_TD, _BATCH), jnp.float32),
    )(g128)
    return o2.reshape(_HIST, _D, _BATCH).transpose(2, 0, 1)

# --- scband reference (transcript-rebuilt; emitter-appended) ---
"""Pipeline reference for scband-mlpencoder-72576357368094 (READ-ONLY COPY).

The authoritative reference and input builder live on the scoring server;
editing this copy changes nothing except your own understanding.
"""

import jax, jax.numpy as jnp
import numpy as np

VOCAB = 1000000
EMBED_DIM = 64
BATCH = 16384
HIST = 50


def setup_inputs(seed: int = 0) -> dict:
    key = jax.random.key(seed)
    k_idx, k_tab = jax.random.split(key)
    indices = jax.random.randint(k_idx, (BATCH, HIST), 0, VOCAB, dtype=jnp.int32)
    table = jax.random.normal(k_tab, (VOCAB, EMBED_DIM), dtype=jnp.float32) * 0.02
    return {"input": indices, "table": table}


def reference(input, table):
    # MLPEncoder with Discrete input_type is a plain nn.Embedding lookup:
    # out[b, t, :] = table[input[b, t], :]
    return jnp.take(table, input, axis=0)

if __name__ == "__main__":
    import jax
    _d = setup_inputs()
    print(jax.jit(kernel)(*tuple(_d.values())))

</pallas_src>

<mosaic_0001>
#map = affine_map<(d0, d1) -> (0)>
#map1 = affine_map<(d0, d1) -> (0, 0)>
module attributes {stable_mosaic.version = 14 : i64} {
  func.func @_gather_kernel(%arg0: i32, %arg1: i32, %arg2: memref<819200xi32, #tpu.memory_space<hbm>>, %arg3: memref<2000000x64xf32, #tpu.memory_space<hbm>>, %arg4: memref<819200x64xf32, #tpu.memory_space<hbm>>, %arg5: memref<25600xi32, #tpu.memory_space<vmem>>, %arg6: memref<512x64xf32, #tpu.memory_space<vmem>>, %arg7: memref<512x64xf32, #tpu.memory_space<vmem>>, %arg8: memref<!tpu.dma_semaphore, #tpu.memory_space<semaphore_mem>>, %arg9: memref<!tpu.dma_semaphore, #tpu.memory_space<semaphore_mem>>) attributes {dimension_semantics = [#tpu.dimension_semantics<core_parallel>, #tpu.dimension_semantics<subcore_parallel>], iteration_bounds = array<i64: 2, 16>, scalar_prefetch = 0 : i64, scratch_operands = 5 : i64, tpu.core_type = #tpu.core_type<sc_vector_subcore>, window_params = [{transform_indices = #map}, {transform_indices = #map1}, {transform_indices = #map1}]} {
    %mul3A = arith.constant 2 : i32
    %mul3A_0 = arith.muli %arg1, %mul3A : i32
    %add3A = arith.addi %mul3A_0, %arg0 : i32
    %mul3A_1 = arith.constant 25600 : i32
    %mul3A_2 = arith.muli %add3A, %mul3A_1 : i32
    "tpu.region"() ({
      %run_scoped3A = tpu.sem_alloc : memref<!tpu.dma_semaphore, #tpu.memory_space<semaphore_mem>>
      %dma_start3A_17 = tpu.memref_slice %arg2[%mul3A_2] : memref<819200xi32, #tpu.memory_space<hbm>> -> memref<25600xi32, #tpu.memory_space<hbm>>
      %dma_start3A_18 = tpu.memref_slice %arg2[%mul3A_2] : memref<819200xi32, #tpu.memory_space<hbm>> -> memref<25600xi32, #tpu.memory_space<hbm>>
      tpu.enqueue_dma source(%dma_start3A_18 : memref<25600xi32, #tpu.memory_space<hbm>>) target(%arg5 : memref<25600xi32, #tpu.memory_space<vmem>>) target_semaphore(%run_scoped3A : memref<!tpu.dma_semaphore, #tpu.memory_space<semaphore_mem>>)
      %dma_wait3A = tpu.memref_slice %arg2[%mul3A_2] : memref<819200xi32, #tpu.memory_space<hbm>> -> memref<25600xi32, #tpu.memory_space<hbm>>
      %dma_wait3A_19 = tpu.memref_slice %arg2[%mul3A_2] : memref<819200xi32, #tpu.memory_space<hbm>> -> memref<25600xi32, #tpu.memory_space<hbm>>
      tpu.wait_dma2 semaphore(%run_scoped3A : memref<!tpu.dma_semaphore, #tpu.memory_space<semaphore_mem>>) src(%dma_wait3A_19 : memref<25600xi32, #tpu.memory_space<hbm>>) dst(%arg5 : memref<25600xi32, #tpu.memory_space<vmem>>)
      tpu.yield
    }) : () -> ()
    %dma_start3A = arith.constant 0 : i32
    %dma_start3A_3 = tpu.memref_slice %arg5[%dma_start3A] : memref<25600xi32, #tpu.memory_space<vmem>> -> memref<512xi32, #tpu.memory_space<vmem>>
    %dma_start3A_4 = arith.constant 0 : i32
    %dma_start3A_5 = arith.constant 0 : i32
    %dma_start3A_6 = tpu.memref_slice %arg3[%dma_start3A_4, %dma_start3A_5] : memref<2000000x64xf32, #tpu.memory_space<hbm>> -> memref<2000000x64xf32, #tpu.memory_space<hbm>>
    tpu.enqueue_indirect_dma source(%dma_start3A_6 : memref<2000000x64xf32, #tpu.memory_space<hbm>>) target(%arg6 : memref<512x64xf32, #tpu.memory_space<vmem>>) offsets(%dma_start3A_3 : memref<512xi32, #tpu.memory_space<vmem>>) semaphore(%arg8 : memref<!tpu.dma_semaphore, #tpu.memory_space<semaphore_mem>>)
    %dma_start3A_7 = arith.constant 512 : i32
    %dma_start3A_8 = tpu.memref_slice %arg5[%dma_start3A_7] : memref<25600xi32, #tpu.memory_space<vmem>> -> memref<512xi32, #tpu.memory_space<vmem>>
    %dma_start3A_9 = arith.constant 0 : i32
    %dma_start3A_10 = arith.constant 0 : i32
    %dma_start3A_11 = tpu.memref_slice %arg3[%dma_start3A_9, %dma_start3A_10] : memref<2000000x64xf32, #tpu.memory_space<hbm>> -> memref<2000000x64xf32, #tpu.memory_space<hbm>>
    tpu.enqueue_indirect_dma source(%dma_start3A_11 : memref<2000000x64xf32, #tpu.memory_space<hbm>>) target(%arg7 : memref<512x64xf32, #tpu.memory_space<vmem>>) offsets(%dma_start3A_8 : memref<512xi32, #tpu.memory_space<vmem>>) semaphore(%arg9 : memref<!tpu.dma_semaphore, #tpu.memory_space<semaphore_mem>>)
    %scan3A = arith.constant 0 : i32
    %scan3A_12 = arith.constant 0 : i32
    %scan3A_13 = arith.constant 25 : i32
    %scan3A_14 = arith.addi %scan3A_12, %scan3A_13 : i32
    %scan3A_15 = arith.constant 1 : i32
    scf.for %scan3A_17 = %scan3A_12 to %scan3A_14 step %scan3A_15  : i32 {
      %mul3A_18 = arith.constant 2 : i32
      %mul3A_19 = arith.muli %mul3A_18, %scan3A_17 : i32
      %mul3A_20 = arith.constant 512 : i32
      %mul3A_21 = arith.muli %mul3A_19, %mul3A_20 : i32
      %dma_wait3A = tpu.memref_slice %arg5[%mul3A_21] : memref<25600xi32, #tpu.memory_space<vmem>> -> memref<512xi32, #tpu.memory_space<vmem>>
      %dma_wait3A_22 = arith.constant 0 : i32
      %dma_wait3A_23 = arith.constant 0 : i32
      %dma_wait3A_24 = tpu.memref_slice %arg3[%dma_wait3A_22, %dma_wait3A_23] : memref<2000000x64xf32, #tpu.memory_space<hbm>> -> memref<2000000x64xf32, #tpu.memory_space<hbm>>
      tpu.wait_indirect_dma semaphore(%arg8 : memref<!tpu.dma_semaphore, #tpu.memory_space<semaphore_mem>>) src(%dma_wait3A_24 : memref<2000000x64xf32, #tpu.memory_space<hbm>>) dst(%arg6 : memref<512x64xf32, #tpu.memory_space<vmem>>)
      %mul3A_25 = arith.constant 512 : i32
      %mul3A_26 = arith.muli %mul3A_19, %mul3A_25 : i32
      %add3A_27 = arith.addi %mul3A_2, %mul3A_26 : i32
      "tpu.region"() ({
        %run_scoped3A = tpu.sem_alloc : memref<!tpu.dma_semaphore, #tpu.memory_space<semaphore_mem>>
        %dma_start3A_52 = arith.constant 0 : i32
        %dma_start3A_53 = tpu.memref_slice %arg4[%add3A_27, %dma_start3A_52] : memref<819200x64xf32, #tpu.memory_space<hbm>> -> memref<512x64xf32, #tpu.memory_space<hbm>>
        %dma_start3A_54 = arith.constant 0 : i32
        %dma_start3A_55 = tpu.memref_slice %arg4[%add3A_27, %dma_start3A_54] : memref<819200x64xf32, #tpu.memory_space<hbm>> -> memref<512x64xf32, #tpu.memory_space<hbm>>
        tpu.enqueue_dma source(%arg6 : memref<512x64xf32, #tpu.memory_space<vmem>>) target(%dma_start3A_55 : memref<512x64xf32, #tpu.memory_space<hbm>>) target_semaphore(%run_scoped3A : memref<!tpu.dma_semaphore, #tpu.memory_space<semaphore_mem>>)
        %dma_wait3A_56 = arith.constant 0 : i32
        %dma_wait3A_57 = tpu.memref_slice %arg4[%add3A_27, %dma_wait3A_56] : memref<819200x64xf32, #tpu.memory_space<hbm>> -> memref<512x64xf32, #tpu.memory_space<hbm>>
        %dma_wait3A_58 = arith.constant 0 : i32
        %dma_wait3A_59 = tpu.memref_slice %arg4[%add3A_27, %dma_wait3A_58] : memref<819200x64xf32, #tpu.memory_space<hbm>> -> memref<512x64xf32, #tpu.memory_space<hbm>>
        tpu.wait_dma2 semaphore(%run_scoped3A : memref<!tpu.dma_semaphore, #tpu.memory_space<semaphore_mem>>) src(%arg6 : memref<512x64xf32, #tpu.memory_space<vmem>>) dst(%dma_wait3A_59 : memref<512x64xf32, #tpu.memory_space<hbm>>)
        tpu.yield
      }) : () -> ()
      %add3A_28 = arith.constant 2 : i32
      %add3A_29 = arith.addi %mul3A_19, %add3A_28 : i32
      %lt3A = arith.constant 50 : i32
      %lt3A_30 = arith.cmpi slt, %add3A_29, %lt3A : i32
      %convert_element_type3A = arith.extui %lt3A_30 : i1 to i32
      %cond3A = arith.constant 0 : i32
      %cond3A_31 = arith.cmpi ne, %convert_element_type3A, %cond3A : i32
      scf.if %cond3A_31 {
        %add3A_52 = arith.constant 2 : i32
        %add3A_53 = arith.addi %mul3A_19, %add3A_52 : i32
        %mul3A_54 = arith.constant 512 : i32
        %mul3A_55 = arith.muli %add3A_53, %mul3A_54 : i32
        %dma_start3A_56 = tpu.memref_slice %arg5[%mul3A_55] : memref<25600xi32, #tpu.memory_space<vmem>> -> memref<512xi32, #tpu.memory_space<vmem>>
        %dma_start3A_57 = arith.constant 0 : i32
        %dma_start3A_58 = arith.constant 0 : i32
        %dma_start3A_59 = tpu.memref_slice %arg3[%dma_start3A_57, %dma_start3A_58] : memref<2000000x64xf32, #tpu.memory_space<hbm>> -> memref<2000000x64xf32, #tpu.memory_space<hbm>>
        tpu.enqueue_indirect_dma source(%dma_start3A_59 : memref<2000000x64xf32, #tpu.memory_space<hbm>>) target(%arg6 : memref<512x64xf32, #tpu.memory_space<vmem>>) offsets(%dma_start3A_56 : memref<512xi32, #tpu.memory_space<vmem>>) semaphore(%arg8 : memref<!tpu.dma_semaphore, #tpu.memory_space<semaphore_mem>>)
      } else {
      }
      %mul3A_32 = arith.constant 2 : i32
      %mul3A_33 = arith.muli %mul3A_32, %scan3A_17 : i32
      %add3A_34 = arith.constant 1 : i32
      %add3A_35 = arith.addi %mul3A_33, %add3A_34 : i32
      %mul3A_36 = arith.constant 512 : i32
      %mul3A_37 = arith.muli %add3A_35, %mul3A_36 : i32
      %dma_wait3A_38 = tpu.memref_slice %arg5[%mul3A_37] : memref<25600xi32, #tpu.memory_space<vmem>> -> memref<512xi32, #tpu.memory_space<vmem>>
      %dma_wait3A_39 = arith.constant 0 : i32
      %dma_wait3A_40 = arith.constant 0 : i32
      %dma_wait3A_41 = tpu.memref_slice %arg3[%dma_wait3A_39, %dma_wait3A_40] : memref<2000000x64xf32, #tpu.memory_space<hbm>> -> memref<2000000x64xf32, #tpu.memory_space<hbm>>
      tpu.wait_indirect_dma semaphore(%arg9 : memref<!tpu.dma_semaphore, #tpu.memory_space<semaphore_mem>>) src(%dma_wait3A_41 : memref<2000000x64xf32, #tpu.memory_space<hbm>>) dst(%arg7 : memref<512x64xf32, #tpu.memory_space<vmem>>)
      %mul3A_42 = arith.constant 512 : i32
      %mul3A_43 = arith.muli %add3A_35, %mul3A_42 : i32
      %add3A_44 = arith.addi %mul3A_2, %mul3A_43 : i32
      "tpu.region"() ({
        %run_scoped3A = tpu.sem_alloc : memref<!tpu.dma_semaphore, #tpu.memory_space<semaphore_mem>>
        %dma_start3A_52 = arith.constant 0 : i32
        %dma_start3A_53 = tpu.memref_slice %arg4[%add3A_44, %dma_start3A_52] : memref<819200x64xf32, #tpu.memory_space<hbm>> -> memref<512x64xf32, #tpu.memory_space<hbm>>
        %dma_start3A_54 = arith.constant 0 : i32
        %dma_start3A_55 = tpu.memref_slice %arg4[%add3A_44, %dma_start3A_54] : memref<819200x64xf32, #tpu.memory_space<hbm>> -> memref<512x64xf32, #tpu.memory_space<hbm>>
        tpu.enqueue_dma source(%arg7 : memref<512x64xf32, #tpu.memory_space<vmem>>) target(%dma_start3A_55 : memref<512x64xf32, #tpu.memory_space<hbm>>) target_semaphore(%run_scoped3A : memref<!tpu.dma_semaphore, #tpu.memory_space<semaphore_mem>>)
        %dma_wait3A_56 = arith.constant 0 : i32
        %dma_wait3A_57 = tpu.memref_slice %arg4[%add3A_44, %dma_wait3A_56] : memref<819200x64xf32, #tpu.memory_space<hbm>> -> memref<512x64xf32, #tpu.memory_space<hbm>>
        %dma_wait3A_58 = arith.constant 0 : i32
        %dma_wait3A_59 = tpu.memref_slice %arg4[%add3A_44, %dma_wait3A_58] : memref<819200x64xf32, #tpu.memory_space<hbm>> -> memref<512x64xf32, #tpu.memory_space<hbm>>
        tpu.wait_dma2 semaphore(%run_scoped3A : memref<!tpu.dma_semaphore, #tpu.memory_space<semaphore_mem>>) src(%arg7 : memref<512x64xf32, #tpu.memory_space<vmem>>) dst(%dma_wait3A_59 : memref<512x64xf32, #tpu.memory_space<hbm>>)
        tpu.yield
      }) : () -> ()
      %add3A_45 = arith.constant 2 : i32
      %add3A_46 = arith.addi %add3A_35, %add3A_45 : i32
      %lt3A_47 = arith.constant 50 : i32
      %lt3A_48 = arith.cmpi slt, %add3A_46, %lt3A_47 : i32
      %convert_element_type3A_49 = arith.extui %lt3A_48 : i1 to i32
      %cond3A_50 = arith.constant 0 : i32
      %cond3A_51 = arith.cmpi ne, %convert_element_type3A_49, %cond3A_50 : i32
      scf.if %cond3A_51 {
        %add3A_52 = arith.constant 2 : i32
        %add3A_53 = arith.addi %add3A_35, %add3A_52 : i32
        %mul3A_54 = arith.constant 512 : i32
        %mul3A_55 = arith.muli %add3A_53, %mul3A_54 : i32
        %dma_start3A_56 = tpu.memref_slice %arg5[%mul3A_55] : memref<25600xi32, #tpu.memory_space<vmem>> -> memref<512xi32, #tpu.memory_space<vmem>>
        %dma_start3A_57 = arith.constant 0 : i32
        %dma_start3A_58 = arith.constant 0 : i32
        %dma_start3A_59 = tpu.memref_slice %arg3[%dma_start3A_57, %dma_start3A_58] : memref<2000000x64xf32, #tpu.memory_space<hbm>> -> memref<2000000x64xf32, #tpu.memory_space<hbm>>
        tpu.enqueue_indirect_dma source(%dma_start3A_59 : memref<2000000x64xf32, #tpu.memory_space<hbm>>) target(%arg7 : memref<512x64xf32, #tpu.memory_space<vmem>>) offsets(%dma_start3A_56 : memref<512xi32, #tpu.memory_space<vmem>>) semaphore(%arg9 : memref<!tpu.dma_semaphore, #tpu.memory_space<semaphore_mem>>)
      } else {
      }
    }
    %scan3A_16 = arith.constant 25 : i32
    return
  }
}

module attributes {stable_mosaic.version = 14 : i64} {
  func.func @_pad_transpose_kernel(%arg0: i32, %arg1: memref<64x2048xf32, #tpu.memory_space<vmem>>, %arg2: memref<2048x128xf32, #tpu.memory_space<vmem>>) attributes {dimension_semantics = [#tpu.dimension_semantics<arbitrary>], iteration_bounds = array<i64: 489>, scalar_prefetch = 0 : i64, scratch_operands = 0 : i64, tpu.core_type = #tpu.core_type<tc>, window_params = [{transform_indices = @transform_0, window_bounds = array<i64: 64, 2048>}, {transform_indices = @transform_1, window_bounds = array<i64: 2048, 128>}]} {
    %get3A = arith.constant 0 : index
    %get3A_0 = arith.constant 0 : index
    %get3A_1 = vector.load %arg1[%get3A, %get3A_0] : memref<64x2048xf32, #tpu.memory_space<vmem>>, vector<64x2048xf32>
    %concatenate3A = tpu.concatenate %get3A_1, %get3A_1 in 0 : vector<64x2048xf32>, vector<64x2048xf32> -> vector<128x2048xf32>
    %transpose3A = tpu.transpose %concatenate3A, [1, 0] : vector<128x2048xf32> -> vector<2048x128xf32>
    %swap3A = arith.constant 0 : index
    %swap3A_2 = arith.constant 0 : index
    %swap3A_3 = vector.load %arg2[%swap3A, %swap3A_2] : memref<2048x128xf32, #tpu.memory_space<vmem>>, vector<2048x128xf32>
    tpu.vector_store %arg2[%swap3A, %swap3A_2], %transpose3A {strides = array<i32>} : memref<2048x128xf32, #tpu.memory_space<vmem>>, vector<2048x128xf32>,
    return
  }
  func.func @transform_0(%arg0: i32) -> (i32, i32) {
    %c0_i32 = arith.constant 0 : i32
    %c0_i32_0 = arith.constant 0 : i32
    return %c0_i32, %arg0 : i32, i32
  }
  func.func @transform_1(%arg0: i32) -> (i32, i32) {
    %c0_i32 = arith.constant 0 : i32
    %c0_i32_0 = arith.constant 0 : i32
    return %arg0, %c0_i32 : i32, i32
  }
}

module attributes {stable_mosaic.version = 14 : i64} {
  func.func @_to_batch_minor_kernel(%arg0: i32, %arg1: memref<3200x128xf32, #tpu.memory_space<vmem>>, %arg2: memref<3200x128xf32, #tpu.memory_space<vmem>>) attributes {dimension_semantics = [#tpu.dimension_semantics<arbitrary>], iteration_bounds = array<i64: 128>, scalar_prefetch = 0 : i64, scratch_operands = 0 : i64, tpu.core_type = #tpu.core_type<tc>, window_params = [{transform_indices = @transform_0, window_bounds = array<i64: 3200, 128>}, {transform_indices = @transform_1, window_bounds = array<i64: 3200, 128>}]} {
    %get3A = arith.constant 0 : index
    %get3A_0 = arith.constant 0 : index
    %get3A_1 = vector.load %arg1[%get3A, %get3A_0] : memref<3200x128xf32, #tpu.memory_space<vmem>>, vector<3200x128xf32>
    %reshape3A = vector.shape_cast %get3A_1 : vector<3200x128xf32> to vector<128x25x128xf32>
    %slice3A = vector.extract_strided_slice %reshape3A {offsets = [0, 0, 0], sizes = [128, 1, 128], strides = [1, 1, 1]} : vector<128x25x128xf32> to vector<128x1x128xf32>
    %squeeze3A = vector.shape_cast %slice3A : vector<128x1x128xf32> to vector<128x128xf32>
    %transpose3A = tpu.transpose %squeeze3A, [1, 0] : vector<128x128xf32> -> vector<128x128xf32>
    %swap3A = arith.constant 0 : index
    %swap3A_2 = arith.constant 0 : index
    %swap3A_3 = vector.load %arg2[%swap3A, %swap3A_2] : memref<3200x128xf32, #tpu.memory_space<vmem>>, vector<128x128xf32>
    tpu.vector_store %arg2[%swap3A, %swap3A_2], %transpose3A {strides = array<i32>} : memref<3200x128xf32, #tpu.memory_space<vmem>>, vector<128x128xf32>,
    %slice3A_4 = vector.extract_strided_slice %reshape3A {offsets = [0, 1, 0], sizes = [128, 1, 128], strides = [1, 1, 1]} : vector<128x25x128xf32> to vector<128x1x128xf32>
    %squeeze3A_5 = vector.shape_cast %slice3A_4 : vector<128x1x128xf32> to vector<128x128xf32>
    %transpose3A_6 = tpu.transpose %squeeze3A_5, [1, 0] : vector<128x128xf32> -> vector<128x128xf32>
    %swap3A_7 = arith.constant 128 : index
    %swap3A_8 = arith.constant 0 : index
    %swap3A_9 = vector.load %arg2[%swap3A_7, %swap3A_8] : memref<3200x128xf32, #tpu.memory_space<vmem>>, vector<128x128xf32>
    tpu.vector_store %arg2[%swap3A_7, %swap3A_8], %transpose3A_6 {strides = array<i32>} : memref<3200x128xf32, #tpu.memory_space<vmem>>, vector<128x128xf32>,
    %slice3A_10 = vector.extract_strided_slice %reshape3A {offsets = [0, 2, 0], sizes = [128, 1, 128], strides = [1, 1, 1]} : vector<128x25x128xf32> to vector<128x1x128xf32>
    %squeeze3A_11 = vector.shape_cast %slice3A_10 : vector<128x1x128xf32> to vector<128x128xf32>
    %transpose3A_12 = tpu.transpose %squeeze3A_11, [1, 0] : vector<128x128xf32> -> vector<128x128xf32>
    %swap3A_13 = arith.constant 256 : index
    %swap3A_14 = arith.constant 0 : index
    %swap3A_15 = vector.load %arg2[%swap3A_13, %swap3A_14] : memref<3200x128xf32, #tpu.memory_space<vmem>>, vector<128x128xf32>
    tpu.vector_store %arg2[%swap3A_13, %swap3A_14], %transpose3A_12 {strides = array<i32>} : memref<3200x128xf32, #tpu.memory_space<vmem>>, vector<128x128xf32>,
    %slice3A_16 = vector.extract_strided_slice %reshape3A {offsets = [0, 3, 0], sizes = [128, 1, 128], strides = [1, 1, 1]} : vector<128x25x128xf32> to vector<128x1x128xf32>
    %squeeze3A_17 = vector.shape_cast %slice3A_16 : vector<128x1x128xf32> to vector<128x128xf32>
    %transpose3A_18 = tpu.transpose %squeeze3A_17, [1, 0] : vector<128x128xf32> -> vector<128x128xf32>
    %swap3A_19 = arith.constant 384 : index
    %swap3A_20 = arith.constant 0 : index
    %swap3A_21 = vector.load %arg2[%swap3A_19, %swap3A_20] : memref<3200x128xf32, #tpu.memory_space<vmem>>, vector<128x128xf32>
    tpu.vector_store %arg2[%swap3A_19, %swap3A_20], %transpose3A_18 {strides = array<i32>} : memref<3200x128xf32, #tpu.memory_space<vmem>>, vector<128x128xf32>,
    %slice3A_22 = vector.extract_strided_slice %reshape3A {offsets = [0, 4, 0], sizes = [128, 1, 128], strides = [1, 1, 1]} : vector<128x25x128xf32> to vector<128x1x128xf32>
    %squeeze3A_23 = vector.shape_cast %slice3A_22 : vector<128x1x128xf32> to vector<128x128xf32>
    %transpose3A_24 = tpu.transpose %squeeze3A_23, [1, 0] : vector<128x128xf32> -> vector<128x128xf32>
    %swap3A_25 = arith.constant 512 : index
    %swap3A_26 = arith.constant 0 : index
    %swap3A_27 = vector.load %arg2[%swap3A_25, %swap3A_26] : memref<3200x128xf32, #tpu.memory_space<vmem>>, vector<128x128xf32>
    tpu.vector_store %arg2[%swap3A_25, %swap3A_26], %transpose3A_24 {strides = array<i32>} : memref<3200x128xf32, #tpu.memory_space<vmem>>, vector<128x128xf32>,
    %slice3A_28 = vector.extract_strided_slice %reshape3A {offsets = [0, 5, 0], sizes = [128, 1, 128], strides = [1, 1, 1]} : vector<128x25x128xf32> to vector<128x1x128xf32>
    %squeeze3A_29 = vector.shape_cast %slice3A_28 : vector<128x1x128xf32> to vector<128x128xf32>
    %transpose3A_30 = tpu.transpose %squeeze3A_29, [1, 0] : vector<128x128xf32> -> vector<128x128xf32>
    %swap3A_31 = arith.constant 640 : index
    %swap3A_32 = arith.constant 0 : index
    %swap3A_33 = vector.load %arg2[%swap3A_31, %swap3A_32] : memref<3200x128xf32, #tpu.memory_space<vmem>>, vector<128x128xf32>
    tpu.vector_store %arg2[%swap3A_31, %swap3A_32], %transpose3A_30 {strides = array<i32>} : memref<3200x128xf32, #tpu.memory_space<vmem>>, vector<128x128xf32>,
    %slice3A_34 = vector.extract_strided_slice %reshape3A {offsets = [0, 6, 0], sizes = [128, 1, 128], strides = [1, 1, 1]} : vector<128x25x128xf32> to vector<128x1x128xf32>
    %squeeze3A_35 = vector.shape_cast %slice3A_34 : vector<128x1x128xf32> to vector<128x128xf32>
    %transpose3A_36 = tpu.transpose %squeeze3A_35, [1, 0] : vector<128x128xf32> -> vector<128x128xf32>
    %swap3A_37 = arith.constant 768 : index
    %swap3A_38 = arith.constant 0 : index
    %swap3A_39 = vector.load %arg2[%swap3A_37, %swap3A_38] : memref<3200x128xf32, #tpu.memory_space<vmem>>, vector<128x128xf32>
    tpu.vector_store %arg2[%swap3A_37, %swap3A_38], %transpose3A_36 {strides = array<i32>} : memref<3200x128xf32, #tpu.memory_space<vmem>>, vector<128x128xf32>,
    %slice3A_40 = vector.extract_strided_slice %reshape3A {offsets = [0, 7, 0], sizes = [128, 1, 128], strides = [1, 1, 1]} : vector<128x25x128xf32> to vector<128x1x128xf32>
    %squeeze3A_41 = vector.shape_cast %slice3A_40 : vector<128x1x128xf32> to vector<128x128xf32>
    %transpose3A_42 = tpu.transpose %squeeze3A_41, [1, 0] : vector<128x128xf32> -> vector<128x128xf32>
    %swap3A_43 = arith.constant 896 : index
    %swap3A_44 = arith.constant 0 : index
    %swap3A_45 = vector.load %arg2[%swap3A_43, %swap3A_44] : memref<3200x128xf32, #tpu.memory_space<vmem>>, vector<128x128xf32>
    tpu.vector_store %arg2[%swap3A_43, %swap3A_44], %transpose3A_42 {strides = array<i32>} : memref<3200x128xf32, #tpu.memory_space<vmem>>, vector<128x128xf32>,
    %slice3A_46 = vector.extract_strided_slice %reshape3A {offsets = [0, 8, 0], sizes = [128, 1, 128], strides = [1, 1, 1]} : vector<128x25x128xf32> to vector<128x1x128xf32>
    %squeeze3A_47 = vector.shape_cast %slice3A_46 : vector<128x1x128xf32> to vector<128x128xf32>
    %transpose3A_48 = tpu.transpose %squeeze3A_47, [1, 0] : vector<128x128xf32> -> vector<128x128xf32>
    %swap3A_49 = arith.constant 1024 : index
    %swap3A_50 = arith.constant 0 : index
    %swap3A_51 = vector.load %arg2[%swap3A_49, %swap3A_50] : memref<3200x128xf32, #tpu.memory_space<vmem>>, vector<128x128xf32>
    tpu.vector_store %arg2[%swap3A_49, %swap3A_50], %transpose3A_48 {strides = array<i32>} : memref<3200x128xf32, #tpu.memory_space<vmem>>, vector<128x128xf32>,
    %slice3A_52 = vector.extract_strided_slice %reshape3A {offsets = [0, 9, 0], sizes = [128, 1, 128], strides = [1, 1, 1]} : vector<128x25x128xf32> to vector<128x1x128xf32>
    %squeeze3A_53 = vector.shape_cast %slice3A_52 : vector<128x1x128xf32> to vector<128x128xf32>
    %transpose3A_54 = tpu.transpose %squeeze3A_53, [1, 0] : vector<128x128xf32> -> vector<128x128xf32>
    %swap3A_55 = arith.constant 1152 : index
    %swap3A_56 = arith.constant 0 : index
    %swap3A_57 = vector.load %arg2[%swap3A_55, %swap3A_56] : memref<3200x128xf32, #tpu.memory_space<vmem>>, vector<128x128xf32>
    tpu.vector_store %arg2[%swap3A_55, %swap3A_56], %transpose3A_54 {strides = array<i32>} : memref<3200x128xf32, #tpu.memory_space<vmem>>, vector<128x128xf32>,
    %slice3A_58 = vector.extract_strided_slice %reshape3A {offsets = [0, 10, 0], sizes = [128, 1, 128], strides = [1, 1, 1]} : vector<128x25x128xf32> to vector<128x1x128xf32>
    %squeeze3A_59 = vector.shape_cast %slice3A_58 : vector<128x1x128xf32> to vector<128x128xf32>
    %transpose3A_60 = tpu.transpose %squeeze3A_59, [1, 0] : vector<128x128xf32> -> vector<128x128xf32>
    %swap3A_61 = arith.constant 1280 : index
    %swap3A_62 = arith.constant 0 : index
    %swap3A_63 = vector.load %arg2[%swap3A_61, %swap3A_62] : memref<3200x128xf32, #tpu.memory_space<vmem>>, vector<128x128xf32>
    tpu.vector_store %arg2[%swap3A_61, %swap3A_62], %transpose3A_60 {strides = array<i32>} : memref<3200x128xf32, #tpu.memory_space<vmem>>, vector<128x128xf32>,
    %slice3A_64 = vector.extract_strided_slice %reshape3A {offsets = [0, 11, 0], sizes = [128, 1, 128], strides = [1, 1, 1]} : vector<128x25x128xf32> to vector<128x1x128xf32>
    %squeeze3A_65 = vector.shape_cast %slice3A_64 : vector<128x1x128xf32> to vector<128x128xf32>
    %transpose3A_66 = tpu.transpose %squeeze3A_65, [1, 0] : vector<128x128xf32> -> vector<128x128xf32>
    %swap3A_67 = arith.constant 1408 : index
    %swap3A_68 = arith.constant 0 : index
    %swap3A_69 = vector.load %arg2[%swap3A_67, %swap3A_68] : memref<3200x128xf32, #tpu.memory_space<vmem>>, vector<128x128xf32>
    tpu.vector_store %arg2[%swap3A_67, %swap3A_68], %transpose3A_66 {strides = array<i32>} : memref<3200x128xf32, #tpu.memory_space<vmem>>, vector<128x128xf32>,
    %slice3A_70 = vector.extract_strided_slice %reshape3A {offsets = [0, 12, 0], sizes = [128, 1, 128], strides = [1, 1, 1]} : vector<128x25x128xf32> to vector<128x1x128xf32>
    %squeeze3A_71 = vector.shape_cast %slice3A_70 : vector<128x1x128xf32> to vector<128x128xf32>
    %transpose3A_72 = tpu.transpose %squeeze3A_71, [1, 0] : vector<128x128xf32> -> vector<128x128xf32>
    %swap3A_73 = arith.constant 1536 : index
    %swap3A_74 = arith.constant 0 : index
    %swap3A_75 = vector.load %arg2[%swap3A_73, %swap3A_74] : memref<3200x128xf32, #tpu.memory_space<vmem>>, vector<128x128xf32>
    tpu.vector_store %arg2[%swap3A_73, %swap3A_74], %transpose3A_72 {strides = array<i32>} : memref<3200x128xf32, #tpu.memory_space<vmem>>, vector<128x128xf32>,
    %slice3A_76 = vector.extract_strided_slice %reshape3A {offsets = [0, 13, 0], sizes = [128, 1, 128], strides = [1, 1, 1]} : vector<128x25x128xf32> to vector<128x1x128xf32>
    %squeeze3A_77 = vector.shape_cast %slice3A_76 : vector<128x1x128xf32> to vector<128x128xf32>
    %transpose3A_78 = tpu.transpose %squeeze3A_77, [1, 0] : vector<128x128xf32> -> vector<128x128xf32>
    %swap3A_79 = arith.constant 1664 : index
    %swap3A_80 = arith.constant 0 : index
    %swap3A_81 = vector.load %arg2[%swap3A_79, %swap3A_80] : memref<3200x128xf32, #tpu.memory_space<vmem>>, vector<128x128xf32>
    tpu.vector_store %arg2[%swap3A_79, %swap3A_80], %transpose3A_78 {strides = array<i32>} : memref<3200x128xf32, #tpu.memory_space<vmem>>, vector<128x128xf32>,
    %slice3A_82 = vector.extract_strided_slice %reshape3A {offsets = [0, 14, 0], sizes = [128, 1, 128], strides = [1, 1, 1]} : vector<128x25x128xf32> to vector<128x1x128xf32>
    %squeeze3A_83 = vector.shape_cast %slice3A_82 : vector<128x1x128xf32> to vector<128x128xf32>
    %transpose3A_84 = tpu.transpose %squeeze3A_83, [1, 0] : vector<128x128xf32> -> vector<128x128xf32>
    %swap3A_85 = arith.constant 1792 : index
    %swap3A_86 = arith.constant 0 : index
    %swap3A_87 = vector.load %arg2[%swap3A_85, %swap3A_86] : memref<3200x128xf32, #tpu.memory_space<vmem>>, vector<128x128xf32>
    tpu.vector_store %arg2[%swap3A_85, %swap3A_86], %transpose3A_84 {strides = array<i32>} : memref<3200x128xf32, #tpu.memory_space<vmem>>, vector<128x128xf32>,
    %slice3A_88 = vector.extract_strided_slice %reshape3A {offsets = [0, 15, 0], sizes = [128, 1, 128], strides = [1, 1, 1]} : vector<128x25x128xf32> to vector<128x1x128xf32>
    %squeeze3A_89 = vector.shape_cast %slice3A_88 : vector<128x1x128xf32> to vector<128x128xf32>
    %transpose3A_90 = tpu.transpose %squeeze3A_89, [1, 0] : vector<128x128xf32> -> vector<128x128xf32>
    %swap3A_91 = arith.constant 1920 : index
    %swap3A_92 = arith.constant 0 : index
    %swap3A_93 = vector.load %arg2[%swap3A_91, %swap3A_92] : memref<3200x128xf32, #tpu.memory_space<vmem>>, vector<128x128xf32>
    tpu.vector_store %arg2[%swap3A_91, %swap3A_92], %transpose3A_90 {strides = array<i32>} : memref<3200x128xf32, #tpu.memory_space<vmem>>, vector<128x128xf32>,
    %slice3A_94 = vector.extract_strided_slice %reshape3A {offsets = [0, 16, 0], sizes = [128, 1, 128], strides = [1, 1, 1]} : vector<128x25x128xf32> to vector<128x1x128xf32>
    %squeeze3A_95 = vector.shape_cast %slice3A_94 : vector<128x1x128xf32> to vector<128x128xf32>
    %transpose3A_96 = tpu.transpose %squeeze3A_95, [1, 0] : vector<128x128xf32> -> vector<128x128xf32>
    %swap3A_97 = arith.constant 2048 : index
    %swap3A_98 = arith.constant 0 : index
    %swap3A_99 = vector.load %arg2[%swap3A_97, %swap3A_98] : memref<3200x128xf32, #tpu.memory_space<vmem>>, vector<128x128xf32>
    tpu.vector_store %arg2[%swap3A_97, %swap3A_98], %transpose3A_96 {strides = array<i32>} : memref<3200x128xf32, #tpu.memory_space<vmem>>, vector<128x128xf32>,
    %slice3A_100 = vector.extract_strided_slice %reshape3A {offsets = [0, 17, 0], sizes = [128, 1, 128], strides = [1, 1, 1]} : vector<128x25x128xf32> to vector<128x1x128xf32>
    %squeeze3A_101 = vector.shape_cast %slice3A_100 : vector<128x1x128xf32> to vector<128x128xf32>
    %transpose3A_102 = tpu.transpose %squeeze3A_101, [1, 0] : vector<128x128xf32> -> vector<128x128xf32>
    %swap3A_103 = arith.constant 2176 : index
    %swap3A_104 = arith.constant 0 : index
    %swap3A_105 = vector.load %arg2[%swap3A_103, %swap3A_104] : memref<3200x128xf32, #tpu.memory_space<vmem>>, vector<128x128xf32>
    tpu.vector_store %arg2[%swap3A_103, %swap3A_104], %transpose3A_102 {strides = array<i32>} : memref<3200x128xf32, #tpu.memory_space<vmem>>, vector<128x128xf32>,
    %slice3A_106 = vector.extract_strided_slice %reshape3A {offsets = [0, 18, 0], sizes = [128, 1, 128], strides = [1, 1, 1]} : vector<128x25x128xf32> to vector<128x1x128xf32>
    %squeeze3A_107 = vector.shape_cast %slice3A_106 : vector<128x1x128xf32> to vector<128x128xf32>
    %transpose3A_108 = tpu.transpose %squeeze3A_107, [1, 0] : vector<128x128xf32> -> vector<128x128xf32>
    %swap3A_109 = arith.constant 2304 : index
    %swap3A_110 = arith.constant 0 : index
    %swap3A_111 = vector.load %arg2[%swap3A_109, %swap3A_110] : memref<3200x128xf32, #tpu.memory_space<vmem>>, vector<128x128xf32>
    tpu.vector_store %arg2[%swap3A_109, %swap3A_110], %transpose3A_108 {strides = array<i32>} : memref<3200x128xf32, #tpu.memory_space<vmem>>, vector<128x128xf32>,
    %slice3A_112 = vector.extract_strided_slice %reshape3A {offsets = [0, 19, 0], sizes = [128, 1, 128], strides = [1, 1, 1]} : vector<128x25x128xf32> to vector<128x1x128xf32>
    %squeeze3A_113 = vector.shape_cast %slice3A_112 : vector<128x1x128xf32> to vector<128x128xf32>
    %transpose3A_114 = tpu.transpose %squeeze3A_113, [1, 0] : vector<128x128xf32> -> vector<128x128xf32>
    %swap3A_115 = arith.constant 2432 : index
    %swap3A_116 = arith.constant 0 : index
    %swap3A_117 = vector.load %arg2[%swap3A_115, %swap3A_116] : memref<3200x128xf32, #tpu.memory_space<vmem>>, vector<128x128xf32>
    tpu.vector_store %arg2[%swap3A_115, %swap3A_116], %transpose3A_114 {strides = array<i32>} : memref<3200x128xf32, #tpu.memory_space<vmem>>, vector<128x128xf32>,
    %slice3A_118 = vector.extract_strided_slice %reshape3A {offsets = [0, 20, 0], sizes = [128, 1, 128], strides = [1, 1, 1]} : vector<128x25x128xf32> to vector<128x1x128xf32>
    %squeeze3A_119 = vector.shape_cast %slice3A_118 : vector<128x1x128xf32> to vector<128x128xf32>
    %transpose3A_120 = tpu.transpose %squeeze3A_119, [1, 0] : vector<128x128xf32> -> vector<128x128xf32>
    %swap3A_121 = arith.constant 2560 : index
    %swap3A_122 = arith.constant 0 : index
    %swap3A_123 = vector.load %arg2[%swap3A_121, %swap3A_122] : memref<3200x128xf32, #tpu.memory_space<vmem>>, vector<128x128xf32>
    tpu.vector_store %arg2[%swap3A_121, %swap3A_122], %transpose3A_120 {strides = array<i32>} : memref<3200x128xf32, #tpu.memory_space<vmem>>, vector<128x128xf32>,
    %slice3A_124 = vector.extract_strided_slice %reshape3A {offsets = [0, 21, 0], sizes = [128, 1, 128], strides = [1, 1, 1]} : vector<128x25x128xf32> to vector<128x1x128xf32>
    %squeeze3A_125 = vector.shape_cast %slice3A_124 : vector<128x1x128xf32> to vector<128x128xf32>
    %transpose3A_126 = tpu.transpose %squeeze3A_125, [1, 0] : vector<128x128xf32> -> vector<128x128xf32>
    %swap3A_127 = arith.constant 2688 : index
    %swap3A_128 = arith.constant 0 : index
    %swap3A_129 = vector.load %arg2[%swap3A_127, %swap3A_128] : memref<3200x128xf32, #tpu.memory_space<vmem>>, vector<128x128xf32>
    tpu.vector_store %arg2[%swap3A_127, %swap3A_128], %transpose3A_126 {strides = array<i32>} : memref<3200x128xf32, #tpu.memory_space<vmem>>, vector<128x128xf32>,
    %slice3A_130 = vector.extract_strided_slice %reshape3A {offsets = [0, 22, 0], sizes = [128, 1, 128], strides = [1, 1, 1]} : vector<128x25x128xf32> to vector<128x1x128xf32>
    %squeeze3A_131 = vector.shape_cast %slice3A_130 : vector<128x1x128xf32> to vector<128x128xf32>
    %transpose3A_132 = tpu.transpose %squeeze3A_131, [1, 0] : vector<128x128xf32> -> vector<128x128xf32>
    %swap3A_133 = arith.constant 2816 : index
    %swap3A_134 = arith.constant 0 : index
    %swap3A_135 = vector.load %arg2[%swap3A_133, %swap3A_134] : memref<3200x128xf32, #tpu.memory_space<vmem>>, vector<128x128xf32>
    tpu.vector_store %arg2[%swap3A_133, %swap3A_134], %transpose3A_132 {strides = array<i32>} : memref<3200x128xf32, #tpu.memory_space<vmem>>, vector<128x128xf32>,
    %slice3A_136 = vector.extract_strided_slice %reshape3A {offsets = [0, 23, 0], sizes = [128, 1, 128], strides = [1, 1, 1]} : vector<128x25x128xf32> to vector<128x1x128xf32>
    %squeeze3A_137 = vector.shape_cast %slice3A_136 : vector<128x1x128xf32> to vector<128x128xf32>
    %transpose3A_138 = tpu.transpose %squeeze3A_137, [1, 0] : vector<128x128xf32> -> vector<128x128xf32>
    %swap3A_139 = arith.constant 2944 : index
    %swap3A_140 = arith.constant 0 : index
    %swap3A_141 = vector.load %arg2[%swap3A_139, %swap3A_140] : memref<3200x128xf32, #tpu.memory_space<vmem>>, vector<128x128xf32>
    tpu.vector_store %arg2[%swap3A_139, %swap3A_140], %transpose3A_138 {strides = array<i32>} : memref<3200x128xf32, #tpu.memory_space<vmem>>, vector<128x128xf32>,
    %slice3A_142 = vector.extract_strided_slice %reshape3A {offsets = [0, 24, 0], sizes = [128, 1, 128], strides = [1, 1, 1]} : vector<128x25x128xf32> to vector<128x1x128xf32>
    %squeeze3A_143 = vector.shape_cast %slice3A_142 : vector<128x1x128xf32> to vector<128x128xf32>
    %transpose3A_144 = tpu.transpose %squeeze3A_143, [1, 0] : vector<128x128xf32> -> vector<128x128xf32>
    %swap3A_145 = arith.constant 3072 : index
    %swap3A_146 = arith.constant 0 : index
    %swap3A_147 = vector.load %arg2[%swap3A_145, %swap3A_146] : memref<3200x128xf32, #tpu.memory_space<vmem>>, vector<128x128xf32>
    tpu.vector_store %arg2[%swap3A_145, %swap3A_146], %transpose3A_144 {strides = array<i32>} : memref<3200x128xf32, #tpu.memory_space<vmem>>, vector<128x128xf32>,
    return
  }
  func.func @transform_0(%arg0: i32) -> (i32, i32) {
    %c0_i32 = arith.constant 0 : i32
    %c0_i32_0 = arith.constant 0 : i32
    return %arg0, %c0_i32 : i32, i32
  }
  func.func @transform_1(%arg0: i32) -> (i32, i32) {
    %c0_i32 = arith.constant 0 : i32
    %c0_i32_0 = arith.constant 0 : i32
    return %c0_i32, %arg0 : i32, i32
  }
}

</mosaic_0001>

<sc_bundles>
// kernel: kernel.5.cloned.1.call-start
scs
__scs_entry_jumppad:
0x0: {  	(pc) =	sbr.rel $0x88, $3  }
0x1: {  	(tag) =	ssettag $0x0;
	lr =	simm.s32 $0x1  }
0x2: {  	[smem:$0x3F9F] =	sst lr;
	_ =	strace $0xD0000000  }
0x3: {  	_ = 	snop  }
0x4: {  	_ = 	snop  }
0x5: {  	_ = 	snop  }
0x6: {  	_ = 	snop  }
0x7: {  	_ = 	snop  }
__scs_overlays_trampoline_lowered:
0x8: {  	[smem:$0x3FAE] =	sst s0  }
0x9: {  	[smem:$0x3FAF] =	sst s1  }
0xa: {  	[smem:$0x3FB0] =	sst s2  }
0xb: {  	[smem:$0x3FB1] =	sst s3  }
0xc: {  	[smem:$0x3FB2] =	sst s4  }
0xd: {  	[smem:$0x3FB3] =	sst s5  }
0xe: {  	[smem:$0x3FB4] =	sst s6  }
0xf: {  	[smem:$0x3FB5] =	sst s7  }
0x10: {  	[smem:$0x3FB6] =	sst s8  }
0x11: {  	[smem:$0x3FB7] =	sst s9;
	s0 =	simm.s32 @!p0 $0x0  }
0x12: {  	s1 =	sld [smem:$0x3F9D];
	s0 =	simm.s32 @p0 $0x1  }
0x13: {  	[smem:$0x3FB8] =	sst s0;
	s0 =	simm.s32 @!p1 $0x0  }
0x14: {  	s2 =	sld [smem:$0x3F9C];
	s0 =	simm.s32 @p1 $0x1  }
0x15: {  	[smem:$0x3FB9] =	sst s0;
	s0 =	simm.s32 @!p2 $0x0  }
0x16: {  	s3 =	sld [smem:$0x3FDB];
	s0 =	simm.s32 @p2 $0x1  }
0x17: {  	s4 =	simm.s32 $0x1BF5;
	[smem:$0x3FBB] =	sst s0  }
0x18: {  	s0 =	sld [smem:$0x3F9E];
	_ =	swait.ge [sflag:s4], $0x0  }
0x19: {  	s7 =	sld [smem:$0x3F9F]  }
0x1a: {  	s8 =	sadd.s32 $0xFFFFE003, lr  }
0x1b: {  	s9 =	sadd.s32 $0xFFFFFEF7, lr;
	s5 =	simm.s32 $0xFFFFFFFF;
	p2 =	slt.u32 s8, $0xFFFFF086  }
0x1c: {  	p1 =	slt.u32 s9, $0xF7A;
	s5 =	simm.s32 @!p2 $0x0  }
0x1d: {  	s5 =	simm.s32 @p1 $0x1;
	p0 =	seq.s32 s7, s2  }
0x1e: {  	s7 =	smul.u32 @!p0 $0xF7A, s2;
	p2 =	seq.s32 @!p0 s5, $0x0  }
0x1f: {  	s9 =	smul.u32 $0xF7A, s1;
	s8 =	simm.s32 @!p0 $0x1BF5;
	p2 =	por !p2, p0  }
0x20: {  	[sflag:s8] =	ssyncset.s32 @!p0 $0xFFFFF086;
	s6 =	sadd.s32 @!p0 s3, s7;
	s7 =	simm.s32 @!p0 $0x108  }
0x21: {  	s3 =	sadd.s32 s3, s9;
	s6 =	sadd.s32 @!p0 $0x88, s6;
	s7 =	simm.s32 @p2 $0x1082  }
0x22: {  	[simem:s7], [sflag:s8] =	dma.local @!p0 [hbm:s6], $0xF7A  }
0x23: {  	s9 =	sor.u32 $0xD0000000, s2;
	s6 =	simm.s32 $0x108;
	_ =	swait.ge @!p0 [sflag:s8], $0x0  }
0x24: {  	s3 =	sadd.s32 $0x88, s3;
	s6 =	simm.s32 @!p1 $0x1082;
	[sflag:s4] =	ssyncset.s32 $0xFFFFF086  }
0x25: {  	[simem:s6], [sflag:s4] =	dma.local [hbm:s3], $0xF7A  }
0x26: {  	[smem:$0x3F9F] =	sst s1;
	(tag) =	ssettag s2;
	_ =	strace s9  }
0x27: {  	s1 =	sld [smem:$0x3FAF]  }
0x28: {  	s2 =	sld [smem:$0x3FB0]  }
0x29: {  	s4 =	sld [smem:$0x3FB2]  }
0x2a: {  	p0 =	seq.s32 s5, $0x0;
	s5 =	sld [smem:$0x3FB3]  }
0x2b: {  	s6 =	sld [smem:$0x3FB4]  }
0x2c: {  	s7 =	sld [smem:$0x3FB5]  }
0x2d: {  	s3 =	simm.s32 $0x108;
	s8 =	sld [smem:$0x3FB6]  }
0x2e: {  	s3 =	simm.s32 @!p0 $0x1082;
	s9 =	sld [smem:$0x3FB7]  }
0x2f: {  	lr =	sadd.s32 s0, s3;
	s0 =	sld [smem:$0x3FAE]  }
0x30: {  	s3 =	sld [smem:$0x3FB1]  }
0x31: {  	[smem:$0x3FBA] =	sst s10  }
0x32: {  	s10 =	sld [smem:$0x3FB8];
	_ =	sdelay $0x3  }
0x33: {  	p0 =	seq.s32 s10, $0x1;
	s10 =	sld [smem:$0x3FBA];
	_ =	sdelay $0x3  }
0x34: {  	[smem:$0x3FBA] =	sst s10  }
0x35: {  	s10 =	sld [smem:$0x3FB9];
	_ =	sdelay $0x3  }
0x36: {  	p1 =	seq.s32 s10, $0x1;
	s10 =	sld [smem:$0x3FBA];
	_ =	sdelay $0x3  }
0x37: {  	[smem:$0x3FBA] =	sst s10  }
0x38: {  	s10 =	sld [smem:$0x3FBB]  }
0x39: {  	_ = 	snop;
	(pc) =	sbr.ind lr, $3  }
0x3a: {  	_ = 	snop  }
0x3b: {  	_ = 	snop  }
0x3c: {  	p2 =	seq.s32 s10, $0x1;
	s10 =	sld [smem:$0x3FBA]  }
0x3d: {  	_ =	shalt  }
0x3e: {  	_ =	shalt  }
0x3f: {  	_ =	shalt  }
0x40: {  	_ =	shalt  }
0x41: {  	_ =	shalt  }
0x42: {  	_ =	shalt  }
0x43: {  	_ =	shalt  }
0x44: {  	_ =	shalt  }
0x45: {  	_ =	shalt  }
0x46: {  	_ =	shalt  }
0x47: {  	_ =	shalt  }
0x48: {  	_ =	shalt  }
0x49: {  	_ =	shalt  }
0x4a: {  	_ =	shalt  }
0x4b: {  	_ =	shalt  }
0x4c: {  	_ =	shalt  }
0x4d: {  	_ =	shalt  }
0x4e: {  	_ =	shalt  }
0x4f: {  	_ =	shalt  }
0x50: {  	_ =	shalt  }
0x51: {  	_ =	shalt  }
0x52: {  	_ =	shalt  }
0x53: {  	_ =	shalt  }
0x54: {  	_ =	shalt  }
0x55: {  	_ =	shalt  }
0x56: {  	_ =	shalt  }
0x57: {  	_ =	shalt  }
0x58: {  	_ =	shalt  }
0x59: {  	_ =	shalt  }
0x5a: {  	_ =	shalt  }
0x5b: {  	_ =	shalt  }
0x5c: {  	_ =	shalt  }
0x5d: {  	_ =	shalt  }
0x5e: {  	_ =	shalt  }
0x5f: {  	_ =	shalt  }
0x60: {  	_ =	shalt  }
0x61: {  	_ =	shalt  }
0x62: {  	_ =	shalt  }
0x63: {  	_ =	shalt  }
0x64: {  	_ =	shalt  }
0x65: {  	_ =	shalt  }
0x66: {  	_ =	shalt  }
0x67: {  	_ =	shalt  }
0x68: {  	_ =	shalt  }
0x69: {  	_ =	shalt  }
0x6a: {  	_ =	shalt  }
0x6b: {  	_ =	shalt  }
0x6c: {  	_ =	shalt  }
0x6d: {  	_ =	shalt  }
0x6e: {  	_ =	shalt  }
0x6f: {  	_ =	shalt  }
0x70: {  	_ =	shalt  }
0x71: {  	_ =	shalt  }
0x72: {  	_ =	shalt  }
0x73: {  	_ =	shalt  }
0x74: {  	_ =	shalt  }
0x75: {  	_ =	shalt  }
0x76: {  	_ =	shalt  }
0x77: {  	_ =	shalt  }
0x78: {  	_ =	shalt  }
0x79: {  	_ =	shalt  }
0x7a: {  	_ =	shalt  }
0x7b: {  	_ =	shalt  }
0x7c: {  	_ =	shalt  }
0x7d: {  	_ =	shalt  }
0x7e: {  	_ =	shalt  }
0x7f: {  	_ =	shalt  }
0x80: {  	_ =	shalt  }
0x81: {  	_ =	shalt  }
0x82: {  	_ =	shalt  }
0x83: {  	_ =	shalt  }
0x84: {  	_ =	shalt  }
0x85: {  	_ =	shalt  }
0x86: {  	_ =	shalt  }
0x87: {  	_ =	shalt  }
.Lfunc_end0:
.L_simem_size_0:
called_computation_lowered:
.L_overlay_start_0:
0x88: {  	s2 =	sld [smem:$0x3FD9]  }
0x89: {  	s3 =	sld [smem:$0x3FFE];
	_ =	sdelay $0x1  }
0x8a: {  	s1 =	srdreg.scid  }
0x8b: {  	s0 =	sand.u32 $0x1, s1  }
0x8c: {  	s17 =	sshll.u32 s0, $0xA;
	s2 =	sadd.s32 s3, s2  }
0x8d: {  	s2 =	sadd.s32 s2, s17  }
0x8e: {  	[smem:$0x3FC6] =	sst s2  }
0x8f: {  	_ = 	snop  }
0x90: {  	s2 =	sld [smem:$0x3FD0];
	(tm) =	ssettm $0x1  }
0x91: {  	s18 =	sld [smem:$0x3FFB];
	_ =	sdelay $0x3  }
0x92: {  	_ =	strace s18  }
0x93: {  	s3 =	sld [smem:$0x3FFC];
	_ =	sdelay $0x3  }
0x94: {  	_ =	strace s3  }
0x95: {  	s3 =	sld [smem:$0x3FFD];
	_ =	sdelay $0x3  }
0x96: {  	_ =	strace s3  }
0x97: {  	_ =	strace $0x8FFFFFFF  }
0x98: {  	s19 =	sld [smem:$0x3FDB];
	_ =	sdelay $0x1  }
0x99: {  	s4 =	simm.s32 $_scs_section_size  }
0x9a: {  	s5 =	simm.s32 $_size__tile_overlayer_lowered;
	s6 =	simm.s32 $_tile_overlayer_lowered  }
0x9b: {  	s22 =	simm.s32 $0x1BFF;
	s21 =	sshll.u32 s6, $0x1;
	s3 =	sadd.s32 s4, s19  }
0x9c: {  	s7 =	simm.s32 $0x0;
	s20 =	sshll.u32 s5, $0x1;
	s5 =	sadd.s32 s21, s3  }
0x9d: {  	[timem:s7], [sflag:s22] =	dma.local [hbm:s5], s20  }
0x9e: {  	_ =	swait.ge [sflag:s22], s20  }
0x9f: {  	s4 =	ssub.s32 $0x0, s20;
	[sflag:s22] =	ssyncset.done $0x0  }
0xa0: {  	[sflag:s22] =	ssyncadd.s32 s4;
	_ =	sdelay $0x1  }
0xa1: {  	s23 =	simm.s32 $0x1B8B  }
0xa2: {  	_ =	swait.ge [sflag:s23], $0x1  }
0xa3: {  	[sflag:s23] =	ssyncset.done $0x0  }
0xa4: {  	s25 =	simm.s32 $0x1B8E;
	s24 =	sld [smem:$0x3FFE];
	[sflag:s23] =	ssyncadd.s32 $0xFFFFFFFF  }
0xa5: {  	s26 =	simm.s32 $execute0_lowered;
	[smem:$0x3FD2] =	sst s25  }
0xa6: {  	s5 =	sshll.u32 s26, $0x1;
	_ =	strace $0x80000046;
	[dreg:$0x1] =	wrdreg $0xFFFFFFFF  }
0xa7: {  	s28 =	simm.s32 $_size_execute0_lowered;
	s3 =	sadd.s32 s3, s5;
	[dreg:$0x0] =	wrdreg $0x0  }
0xa8: {  	s5 =	sshll.u32 s28, $0x1;
	[dreg:$0x2] =	wrdreg s3  }
0xa9: {  	[dreg:$0x3] =	wrdreg s5  }
0xaa: {  	[dreg:$0x4] =	wrdreg $0xC0  }
0xab: {  	_ =	task [dreg:s7], $0x5FFFF  }
0xac: {  	[dreg:$0x1] =	wrdreg $0xFFFFFFFF  }
0xad: {  	[dreg:$0x0] =	wrdreg $0x60  }
0xae: {  	[dreg:$0x2] =	wrdreg s2  }
0xaf: {  	[dreg:$0x3] =	wrdreg s24  }
0xb0: {  	[dreg:$0x4] =	wrdreg $0x9  }
0xb1: {  	_ =	task.clear_ibuf [dreg:s7], $0x5FFFF;
	_ =	strace $0x90000046  }
0xb2: {  	s29 =	simm.s32 $0x9;
	_ =	strace $0x80000048  }
0xb3: {  	_ =	swait.ge [sflag:s29], $0x1  }
0xb4: {  	[sflag:s29] =	ssyncadd.s32 $0xFFFFFFFF  }
0xb5: {  	_ =	strace $0x90000048  }
0xb6: {  	_ =	sfence  }
0xb7: {  	s30 =	sld [smem:$0x0];
	_ =	sdelay $0x2  }
0xb8: {  	s31 =	sshll.u32 s1, $0xD;
	s1 =	sshrl.u32 s1, $0x2  }
0xb9: {  	s3 =	sand.u32 $0x4000, s31;
	s1 =	sadd.s32 s1, s30  }
0xba: {  	s0 =	sor.u32 s3, s0;
	s1 =	sshll.u32 s1, $0x11  }
0xbb: {  	s0 =	sor.u32 s1, s0  }
0xbc: {  	s0 =	sadd.s32 $0x8F2B, s0  }
0xbd: {  	[sflag:s0] =	ssyncadd.remote.s32 $0x1  }
0xbe: {  	_ =	sfence.sel $0xFFFF  }
0xbf: {  	[dreg:$0x0] =	wrdreg $0xFFFFFFFF;
	(pc) =	sbr.abs _section_cstart, $3  }
0xc0: {  	[dreg:$0x1] =	wrdreg $0xFFFFFFFF  }
0xc1: {  	_ =	task.clear_ibuf [dreg:s7], $0x2FFFF;
	_ =	strace $0x9FFFFFFF  }
0xc2: {  	(tm) =	ssettm $0x7FFFFFFF  }
0xc3: {  	_ =	shalt  }
tec
execute0_lowered:
.L_overlay_start_1:
0x0: {  	(tag) =	ssettag $0x1  }
0x1: {  	s4 =	rddreg [dreg:$0x0];
	s1 =	srdreg.scid  }
0x2: {  	s0 =	stileid.u32;
	s5 =	rddreg [dreg:$0x1]  }
0x3: {  	s2 =	simm.s32 $0x0;
	s14 =	simm.s32 $0x1;
	s13 =	smul.u32 $0x64000, s0  }
0x4: {  	s15 =	simm.s32 $0x2;
	s7 =	sand.u32 $0x1, s1;
	s24 =	smul.u32 $0x320000, s0  }
0x5: {  	s16 =	simm.s32 $0x0;
	s3 =	sshll.u32 s0, $0x1;
	s25 =	smul.u32 $0x190000, s7  }
0x6: {  	s1 =	rddreg [dreg:$0x2];
	s6 =	sor.u32 s7, s3;
	s26 =	smul.u32 $0x32000, s7  }
0x7: {  	[smem:$0x7FF] =	sst s2;
	s12 =	sadd.s32 $0xF42800, s5;
	s8 =	smul.u32 $0xC80, s6  }
0x8: {  	_ =	strace $0x80000047;
	s10 =	ssub.s32 $0x2, s7;
	s9 =	smul.u32 $0x190000, s6  }
0x9: {  	s3 =	sadd.s32 $0x400, s5;
	s11 =	smul.u32 $0x32000, s6;
	s22 =	sshrl.u32 s10, $0x1  }
0xa: {  	s29 =	sadd.s32 s13, s12;
	s13 =	simm.s32 $0xE400;
	s5 =	ssub.s32 s10, s22  }
0xb: {  	s30 =	sadd.s32 s26, s29;
	s10 =	simm.s32 $0x3;
	s23 =	sshrl.u32 s9, $0x3  }
0xc: {  	s4 =	sadd.s32 s4, s8;
	s5 =	smax.u32 s5, $0x1;
	s28 =	sadd.s32 s11, s12  }
0xd: {  	s8 =	sadd.s32 s25, s24;
	s11 =	simm.s32 $0x200;
	s6 =	sadd.s32 s12, s23  }
0xe: {  	s7 =	sadd.s32 $0x31000, s28;
	s31 =	sshrl.u32 s8, $0x3;
	s8 =	sadd.s32 $0x1000, s30  }
0xf: {  	s6 =	sadd.s32 $0x30000, s6;
	s9 =	sadd.s32 s31, s12;
	s12 =	simm.s32 $0x6400  }
.LBB2_1:
0x10: {  	[tilespmem:s2], [sflag:$0x3] =	stream.linear.gather [hbm4b:s4+s2], $0x6400, $0x38;
	[tilespmem:$0x16400] =	vst v63  }
0x11: {  	_ =	swait.ge [sflag:s10], $0x6400  }
0x12: {  	[sflag:s10] =	ssyncset.done $0x0  }
0x13: {  	[sflag:s10] =	ssyncadd.s32 $0xFFFF9C00  }
0x14: {  	[tilespmem:s12], [sflag:$0x1] =	stream.indirect.gather [hbm4b:s3+s11], $0x40, s2, s11, $0xb8;
	[tilespmem:$0x16400] =	vst v63  }
0x15: {  	_ = 	snop  }
0x16: {  	[tilespmem:s13], [sflag:$0x2] =	stream.indirect.gather [hbm4b:s3+s11], $0x40, s11, s11, $0xb8;
	[tilespmem:$0x16400] =	vst v63  }
0x17: {  	_ =	swait.ge [sflag:s14], $0x8000  }
0x18: {  	[sflag:s14] =	ssyncset.done $0x0  }
0x19: {  	s17 =	sadd.s32 $0x0, s9;
	[sflag:s14] =	ssyncadd.s32 $0xFFFF8000  }
0x1a: {  	[hbm4b:s17+s2] =	stream.linear.scatter [tilespmem:s12], [sflag:$0x3], $0x8000, $0x38;
	[tilespmem:$0x16400] =	vst v63  }
0x1b: {  	_ =	swait.ge [sflag:s10], $0x8000  }
0x1c: {  	[sflag:s10] =	ssyncset.done $0x0  }
0x1d: {  	s30 =	simm.s32 $0x400;
	[sflag:s10] =	ssyncadd.s32 $0xFFFF8000  }
0x1e: {  	[tilespmem:s12], [sflag:$0x1] =	stream.indirect.gather [hbm4b:s3+s11], $0x40, s30, s11, $0xb8;
	[tilespmem:$0x16400] =	vst v63  }
0x1f: {  	_ =	swait.ge [sflag:s15], $0x8000  }
0x20: {  	[sflag:s15] =	ssyncset.done $0x0  }
0x21: {  	s31 =	sadd.s32 $0x0, s8;
	[sflag:s15] =	ssyncadd.s32 $0xFFFF8000  }
0x22: {  	[hbm4b:s31+s2] =	stream.linear.scatter [tilespmem:s13], [sflag:$0x3], $0x8000, $0x38;
	[tilespmem:$0x16400] =	vst v63  }
0x23: {  	_ =	swait.ge [sflag:s10], $0x8000  }
0x24: {  	s18 =	simm.s32 $0x2000;
	[sflag:s10] =	ssyncset.done $0x0  }
0x25: {  	s19 =	simm.s32 $0xA00;
	s17 =	simm.s32 $0x600;
	[sflag:s10] =	ssyncadd.s32 $0xFFFF8000  }
.LBB2_2:
0x26: {  	[tilespmem:s13], [sflag:$0x2] =	stream.indirect.gather [hbm4b:s3+s11], $0x40, s17, s11, $0xb8;
	[tilespmem:$0x16400] =	vst v63  }
0x27: {  	s20 =	smov.u32 s18;
	s17 =	smov.u32 s19  }
0x28: {  	p0 =	sne.s32 s18, $0x2E000;
	s18 =	sadd.s32 $0x2000, s18;
	_ =	swait.ge [sflag:s14], $0x8000  }
0x29: {  	[sflag:s14] =	ssyncset.done $0x0  }
0x2a: {  	s21 =	sadd.s32 s20, s9;
	[sflag:s14] =	ssyncadd.s32 $0xFFFF8000  }
0x2b: {  	[hbm4b:s21+s2] =	stream.linear.scatter [tilespmem:s12], [sflag:$0x3], $0x8000, $0x38;
	[tilespmem:$0x16400] =	vst v63  }
0x2c: {  	_ =	swait.ge [sflag:s10], $0x8000  }
0x2d: {  	[sflag:s10] =	ssyncset.done $0x0  }
0x2e: {  	s21 =	sadd.s32 $0xFFFFFE00, s19;
	[sflag:s10] =	ssyncadd.s32 $0xFFFF8000  }
0x2f: {  	[tilespmem:s12], [sflag:$0x1] =	stream.indirect.gather [hbm4b:s3+s11], $0x40, s21, s11, $0xb8;
	[tilespmem:$0x16400] =	vst v63  }
0x30: {  	_ =	swait.ge [sflag:s15], $0x8000  }
0x31: {  	[sflag:s15] =	ssyncset.done $0x0  }
.Ltmp0:
0x32: {  	s20 =	sadd.s32 s20, s8;
	[sflag:s15] =	ssyncadd.s32 $0xFFFF8000;
	(pc) =	sbr.rel @p0 .LBB2_2-.Ltmp0, $4  }
0x33: {  	[hbm4b:s20+s2] =	stream.linear.scatter [tilespmem:s13], [sflag:$0x3], $0x8000, $0x38;
	[tilespmem:$0x16400] =	vst v63  }
0x34: {  	_ =	swait.ge [sflag:s10], $0x8000  }
0x35: {  	[sflag:s10] =	ssyncset.done $0x0  }
0x36: {  	s19 =	sadd.s32 $0x400, s19;
	[sflag:s10] =	ssyncadd.s32 $0xFFFF8000  }
0x37: {  	[tilespmem:s13], [sflag:$0x2] =	stream.indirect.gather [hbm4b:s3+s11], $0x40, s17, s11, $0xb8;
	[tilespmem:$0x16400] =	vst v63  }
0x38: {  	_ =	swait.ge [sflag:s14], $0x8000  }
0x39: {  	[sflag:s14] =	ssyncset.done $0x0  }
0x3a: {  	[sflag:s14] =	ssyncadd.s32 $0xFFFF8000  }
0x3b: {  	[hbm4b:s6+s2] =	stream.linear.scatter [tilespmem:s12], [sflag:$0x3], $0x8000, $0x38;
	[tilespmem:$0x16400] =	vst v63  }
0x3c: {  	_ =	swait.ge [sflag:s10], $0x8000  }
0x3d: {  	[sflag:s10] =	ssyncset.done $0x0  }
0x3e: {  	[sflag:s10] =	ssyncadd.s32 $0xFFFF8000  }
0x3f: {  	s16 =	sadd.s32 $0x1, s16;
	_ =	swait.ge [sflag:s15], $0x8000  }
0x40: {  	p0 =	sne.s32 s16, s5;
	[sflag:s15] =	ssyncset.done $0x0  }
.Ltmp1:
0x41: {  	[sflag:s15] =	ssyncadd.s32 $0xFFFF8000;
	(pc) =	sbr.rel @p0 .LBB2_1-.Ltmp1, $4  }
0x42: {  	[hbm4b:s7+s2] =	stream.linear.scatter [tilespmem:s13], [sflag:$0x3], $0x8000, $0x38;
	[tilespmem:$0x16400] =	vst v63  }
0x43: {  	_ =	swait.ge [sflag:s10], $0x8000  }
0x44: {  	[sflag:s10] =	ssyncset.done $0x0  }
0x45: {  	[sflag:s10] =	ssyncadd.s32 $0xFFFF8000  }
0x46: {  	_ =	sfence.sel $0x180000  }
0x47: {  	[bflag:$0x0] =	sbarrier.arrive $0xFFFF  }
0x48: {  	p0 =	sne.s32 s0, $0x0;
	_ =	strace $0x90000047  }
0x49: {  	s0 =	sadd.s32 @!p0 $0x100000, s1;
	[bflag:$0x2] =	sbarrier.arrive $0xFFFF  }
0x4a: {  	[sflag:s0] =	ssyncadd.tile.s32 @!p0 $0x1;
	_ =	shalt  }
.Lfunc_end2:
_tile_overlayer_lowered:
.L_overlay_start_2:
0x4b: {  	(tag) =	ssettag $0x2  }
0x4c: {  	s0 =	rddreg [dreg:$0x0];
	s2 =	stileid.u32  }
0x4d: {  	s1 =	rddreg [dreg:$0x1];
	p0 =	sne.s32 s2, $0x0  }
0x4e: {  	s3 =	rddreg [dreg:$0x2];
	[bflag:$0x3] =	sbarrier.arrive $0xFFFF;
	s2 =	simm.s32 @!p0 $0x1C03  }
0x4f: {  	[timem:s3], [sflag:s2] =	dma.local @!p0 [hbm:s0], s1  }
0x50: {  	s0 =	simm.s32 @!p0 $0x3  }
0x51: {  	_ =	swait.ge @!p0 [sflag:s0], s1  }
0x52: {  	s1 =	ssub.s32 @!p0 $0x0, s1;
	[sflag:s0] =	ssyncset.done @!p0 $0x0  }
0x53: {  	[sflag:s0] =	ssyncadd.s32 @!p0 s1  }
0x54: {  	[bflag:$0x3] =	sbarrier.arrive $0xFFFF  }
0x55: {  	_ =	shalt  }

</sc_bundles>
